<compile_context>
chip_gen: v7x
topology: tpu7x:2x2x1
jax: 0.10.2.dev20260603
libtpu: 0.0.44.dev20260713+nightly
codegen_flags: <defaults>
</compile_context>

<pallas_src>
import functools

import jax
import jax.numpy as jnp
from jax import lax
from jax.experimental import pallas as pl
from jax.experimental.pallas import tpu as pltpu
from jax.experimental.pallas import tpu_sc as plsc

N = 20000
D = 4
K = 256
E = 40000
S_B = 1.0
Q_MIN = 0.5

NP = 20480
EP = 40960
KP = 272
HPS = NP // 16
EPS = EP // 16

_MESH = plsc.VectorSubcoreMesh(core_axis_name="c", subcore_axis_name="s")


@functools.partial(
    pl.kernel,
    out_type=[
        jax.ShapeDtypeStruct((K,), jnp.float32),
        jax.ShapeDtypeStruct((K, 16), jnp.float32),
        jax.ShapeDtypeStruct((K,), jnp.float32),
    ],
    mesh=_MESH,
    compiler_params=pltpu.CompilerParams(use_tc_tiling_on_sc=False,
                                         needs_layout_passes=False),
    scratch_types=[
        pltpu.VMEM((HPS,), jnp.float32),
        pltpu.VMEM((HPS,), jnp.int32),
        pltpu.VMEM((EPS,), jnp.int32),
        pltpu.VMEM((EPS,), jnp.int32),
        pltpu.VMEM((NP,), jnp.float32),
        pltpu.VMEM((16 * KP,), jnp.float32),
        pltpu.VMEM((16 * KP,), jnp.int32),
        pltpu.VMEM((KP,), jnp.float32),
        pltpu.VMEM((KP,), jnp.int32),
        pltpu.VMEM_SHARED((16, KP), jnp.float32),
        pltpu.VMEM_SHARED((16, KP), jnp.int32),
        pltpu.VMEM((16, 16), jnp.float32),
        pltpu.VMEM((16, 16), jnp.int32),
        pltpu.VMEM((16,), jnp.int32),
        pltpu.VMEM((16, 16), jnp.float32),
        pltpu.VMEM((16,), jnp.float32),
        pltpu.SemaphoreType.DMA,
    ],
)
def _sc_stage(fp_hbm, yp_hbm, ei_hbm, ej_hbm, x16_hbm,
              famax_out, xa_out, fc_out,
              fv, yv, iv, jv, fall, tbf, tbg, best, besti,
              sh_f, sh_i, pcf, pci, idxg, rows, ov, sem):
    cid = lax.axis_index("c")
    sid = lax.axis_index("s")

    lane = lax.iota(jnp.int32, 16)
    lane_off = lane * KP
    neg1 = jnp.zeros((16,), jnp.float32) - 1.0
    zf = jnp.zeros((16,), jnp.float32)
    zi = jnp.zeros((16,), jnp.int32)

    @pl.when(cid == 0)
    def _hits():
        base = sid * HPS
        c1 = pltpu.async_copy(fp_hbm.at[pl.ds(base, HPS)], fv, sem)
        c2 = pltpu.async_copy(yp_hbm.at[pl.ds(base, HPS)], yv, sem)

        def initc(c, carry):
            tbf[pl.ds(c * 16, 16)] = neg1
            tbg[pl.ds(c * 16, 16)] = zi
            return carry

        lax.fori_loop(0, 16 * KP // 16, initc, 0)
        c1.wait()
        c2.wait()

        def body(c, carry):
            fvec = fv[pl.ds(c * 16, 16)]
            yvec = yv[pl.ds(c * 16, 16)]
            idxv = lane_off + jnp.where(yvec >= 0, yvec, K)
            gv = (base + c * 16) + lane
            curf = plsc.load_gather(tbf, [idxv])
            upd = fvec > curf
            plsc.store_scatter(tbf, [idxv], fvec, mask=upd)
            plsc.store_scatter(tbg, [idxv], gv, mask=upd)
            return carry

        lax.fori_loop(0, HPS // 16, body, 0, unroll=4)

        for j in range(KP // 16):
            rf = tbf[pl.ds(j * 16, 16)]
            rg = tbg[pl.ds(j * 16, 16)]
            for l in range(1, 16):
                tf = tbf[pl.ds(l * KP + j * 16, 16)]
                tg = tbg[pl.ds(l * KP + j * 16, 16)]
                u = (tf > rf) | ((tf == rf) & (tg < rg))
                rf = jnp.where(u, tf, rf)
                rg = jnp.where(u, tg, rg)
            best[pl.ds(j * 16, 16)] = rf
            besti[pl.ds(j * 16, 16)] = rg

        pltpu.sync_copy(best, sh_f.at[sid])
        pltpu.sync_copy(besti, sh_i.at[sid])

    @pl.when(cid == 1)
    def _edges():
        base = sid * EPS
        c1 = pltpu.async_copy(ei_hbm.at[pl.ds(base, EPS)], iv, sem)
        c2 = pltpu.async_copy(ej_hbm.at[pl.ds(base, EPS)], jv, sem)
        c3 = pltpu.async_copy(fp_hbm, fall, sem)

        def initc(c, carry):
            tbf[pl.ds(c * 16, 16)] = zf
            return carry

        lax.fori_loop(0, 16 * KP // 16, initc, 0)
        c1.wait()
        c2.wait()
        c3.wait()

        def body(c, carry):
            ivec = iv[pl.ds(c * 16, 16)]
            jvec = jv[pl.ds(c * 16, 16)]
            fvals = plsc.load_gather(fall, [ivec])
            idxv = lane_off + jvec
            curc = plsc.load_gather(tbf, [idxv])
            plsc.store_scatter(tbf, [idxv], fvals, mask=fvals > curc)
            return carry

        lax.fori_loop(0, EPS // 16, body, 0, unroll=4)

        for j in range(KP // 16):
            rf = tbf[pl.ds(j * 16, 16)]
            for l in range(1, 16):
                rf = jnp.maximum(rf, tbf[pl.ds(l * KP + j * 16, 16)])
            best[pl.ds(j * 16, 16)] = rf

        pltpu.sync_copy(best, sh_f.at[sid])

    plsc.subcore_barrier()

    col = sid * 16

    @pl.when(cid == 0)
    def _combine_hits():
        pltpu.sync_copy(sh_f.at[:, pl.ds(col, 16)], pcf)
        pltpu.sync_copy(sh_i.at[:, pl.ds(col, 16)], pci)
        rbf = pcf[0]
        rbi = pci[0]
        for w in range(1, 16):
            t = pcf[w]
            u = t > rbf
            rbf = jnp.where(u, t, rbf)
            rbi = jnp.where(u, pci[w], rbi)
        ov[...] = rbf
        pltpu.sync_copy(ov, famax_out.at[pl.ds(col, 16)])
        idxg[...] = rbi
        pltpu.async_copy(x16_hbm.at[idxg], rows, sem).wait()
        pltpu.sync_copy(rows, xa_out.at[pl.ds(col, 16)])

    @pl.when(cid == 1)
    def _combine_edges():
        pltpu.sync_copy(sh_f.at[:, pl.ds(col, 16)], pcf)
        r = pcf[0]
        for w in range(1, 16):
            r = jnp.maximum(r, pcf[w])
        ov[...] = r
        pltpu.sync_copy(ov, fc_out.at[pl.ds(col, 16)])



_MESH1 = plsc.VectorSubcoreMesh(core_axis_name="c", subcore_axis_name="s")


@functools.partial(
    pl.kernel,
    out_type=jax.ShapeDtypeStruct((K,), jnp.float32),
    mesh=_MESH1,
    compiler_params=pltpu.CompilerParams(use_tc_tiling_on_sc=False,
                                         needs_layout_passes=False),
    scratch_types=[
        pltpu.VMEM((HPS,), jnp.float32),
        pltpu.VMEM((HPS,), jnp.int32),
        pltpu.VMEM((EPS,), jnp.int32),
        pltpu.VMEM((EPS,), jnp.int32),
        pltpu.VMEM((NP,), jnp.float32),
        pltpu.VMEM((16 * KP,), jnp.float32),
        pltpu.VMEM((16 * KP,), jnp.int32),
        pltpu.VMEM((KP,), jnp.float32),
        pltpu.VMEM((KP,), jnp.int32),
        pltpu.VMEM_SHARED((16, KP), jnp.float32),
        pltpu.VMEM_SHARED((16, KP), jnp.int32),
        pltpu.VMEM((16, 16), jnp.float32),
        pltpu.VMEM((16, 16), jnp.int32),
        pltpu.VMEM((16,), jnp.int32),
        pltpu.VMEM((16, 16), jnp.float32),
        pltpu.VMEM((16,), jnp.float32),
        pltpu.SemaphoreType.DMA,
    ],
)
def _sc_probe(fp_hbm, o_out, fv, yv, iv, jv, fall, tbf, tbg, best, besti,
              sh_f, sh_i, pcf, pci, idxg, rows, ov, sem):
    cid = lax.axis_index("c")
    sid = lax.axis_index("s")
    ov[...] = jnp.zeros((16,), jnp.float32)

    @pl.when(cid == 0)
    def _():
        pltpu.sync_copy(ov, o_out.at[pl.ds(sid * 16, 16)])

BC = 4096
GRID = NP // BC


def _tc_body(xt_ref, yb_ref, fr_ref, yr_ref, xat_ref, fam_ref, fc_ref,
             out_ref, acc_ref):
    i = pl.program_id(0)

    @pl.when(i == 0)
    def _():
        acc_ref[0] = 0.0
        acc_ref[1] = 0.0
        acc_ref[2] = 0.0

    xt = xt_ref[...]
    yb = yb_ref[...]
    fr = fr_ref[...].reshape(1, BC)
    yr = yr_ref[...].reshape(1, BC)
    xat = xat_ref[...]
    fam = fam_ref[...]

    fm = jnp.clip(fam, 0.0, 0.95)
    ath = 0.5 * jnp.log((1.0 + fm) / (1.0 - fm))
    q_ak = jnp.where(fam < 0.0, 0.0, ath * ath + Q_MIN)
    xa_sq = jnp.sum(xat * xat, axis=0, keepdims=True)

    xsq = jnp.sum(xt * xt, axis=0, keepdims=True)
    ones_r = jnp.zeros((1, BC), jnp.float32) + 1.0
    lhs = jnp.concatenate([xt, xsq, ones_r], axis=0)
    rhs = jnp.concatenate([-2.0 * xat, jnp.zeros((1, K), jnp.float32) + 1.0,
                           xa_sq], axis=0)
    dist = lax.dot_general(lhs, rhs, (((0,), (0,)), ((), ())),
                           preferred_element_type=jnp.float32)
    kio = lax.broadcasted_iota(jnp.int32, (BC, K), 1)
    sel = jnp.where(yb == kio, dist, jnp.maximum(1.0 - dist, 0.0))

    fcl = jnp.clip(fr, 0.0, 0.95)
    atq = 0.5 * jnp.log((1.0 + fcl) / (1.0 - fcl))
    q_row = jnp.where(yr == -2, 0.0, atq * atq + Q_MIN)

    q_col = q_row.reshape(BC, 1)
    lvk = jnp.sum(sel * q_col, axis=0, keepdims=True)
    acc_ref[0] += jnp.sum(lvk * q_ak)
    acc_ref[1] += jnp.sum(jnp.where(yr == -1, fr, 0.0))
    acc_ref[2] += jnp.sum((yr == -1).astype(jnp.float32))

    @pl.when(i == GRID - 1)
    def _():
        b1 = 1.0 - jnp.sum(fc_ref[...]) / K
        total = b1 + S_B * acc_ref[1] / acc_ref[2] + acc_ref[0] / N
        out_ref[...] = jnp.zeros((1, 1), jnp.float32) + total


_tc_call = pl.pallas_call(
    _tc_body,
    grid=(GRID,),
    in_specs=[
        pl.BlockSpec((16, BC), lambda i: (0, i)),
        pl.BlockSpec((BC, 1), lambda i: (i, 0)),
        pl.BlockSpec((1, 1, BC), lambda i: (i, 0, 0)),
        pl.BlockSpec((1, 1, BC), lambda i: (i, 0, 0)),
        pl.BlockSpec((16, K), lambda i: (0, 0)),
        pl.BlockSpec((1, K), lambda i: (0, 0)),
        pl.BlockSpec((1, K), lambda i: (0, 0)),
    ],
    out_specs=pl.BlockSpec((1, 1), lambda i: (0, 0)),
    out_shape=jax.ShapeDtypeStruct((1, 1), jnp.float32),
    scratch_shapes=[pltpu.SMEM((3,), jnp.float32)],
)


def kernel(x, f, y, e_true):
    x = x.astype(jnp.float32)
    f = f.astype(jnp.float32)
    y = y.astype(jnp.int32)
    x16 = jnp.zeros((NP, 16), jnp.float32).at[:N, :D].set(x)
    fp = jnp.zeros((NP,), jnp.float32).at[:N].set(f)
    yp = jnp.full((NP,), -2, jnp.int32).at[:N].set(y)
    ei = jnp.concatenate([e_true[0].astype(jnp.int32),
                          jnp.zeros((EP - E,), jnp.int32)])
    ej = jnp.concatenate([e_true[1].astype(jnp.int32),
                          jnp.full((EP - E,), K, jnp.int32)])
    famax = _sc_probe(fp)
    xa16 = jnp.zeros((K, 16), jnp.float32)
    fcent = jnp.zeros((K,), jnp.float32)
    out = _tc_call(x16.T, yp[:, None], fp.reshape(GRID, 1, BC),
                   yp.reshape(GRID, 1, BC), xa16.T,
                   famax[None, :], fcent[None, :])
    return out[0, 0]

# --- scband reference (transcript-rebuilt; emitter-appended) ---
"""Pipeline reference for scband-obj-condensation-loss-61254823576077 (READ-ONLY COPY).

The authoritative reference and input builder live on the scoring server;
editing this copy changes nothing except your own understanding.
"""

import jax, jax.numpy as jnp
import numpy as np

N = 20000
D = 4
K = 256
E = 40000
S_B = 1.0
Q_MIN = 0.5


def setup_inputs(seed: int = 0) -> dict:
    key = jax.random.key(seed)
    k1, k2, k3, k4, k5 = jax.random.split(key, 5)
    x = jax.random.normal(k1, (N, D), dtype=jnp.float32)
    # f is a sigmoid-like 'beta' in (0,1); scale below 1 so atanh stays finite
    f = jax.random.uniform(k2, (N,), dtype=jnp.float32) * 0.95
    # y: object id per hit in [-1, K); -1 == background/noise
    y = jax.random.randint(k3, (N,), -1, K)
    y = y.at[0].set(-1)  # guarantee at least one background hit
    i = jax.random.randint(k4, (E,), 0, N)
    j = jax.random.randint(k5, (E,), 0, K)
    e_true = jnp.stack([i, j], axis=0).astype(jnp.int32)
    return {"x": x, "f": f, "y": y, "e_true": e_true}


def reference(x, f, y, e_true):
    n_i = (y == -1)
    # one_hot maps -1 -> all-zero row, matching the masked assignment in torch
    M_ik = jnp.where(n_i[:, None], 0.0, jax.nn.one_hot(y, K, dtype=jnp.float32))
    q_i = jnp.arctanh(f) ** 2 + Q_MIN
    qm = q_i[:, None] * M_ik
    q_ak = qm.max(axis=0)
    idx_ak = jnp.argmax(qm, axis=0)
    x_a = x[idx_ak]
    x_diff = ((x[:, None, :] - x_a[None, :, :]) ** 2).sum(axis=2)
    x_inv = jnp.maximum(1.0 - x_diff, 0.0)
    V_k_a = x_diff[None, :, :] * q_ak
    V_k_r = x_inv[None, :, :] * q_ak
    L_v_1 = M_ik * V_k_a
    L_v_2 = (1.0 - M_ik) * V_k_r
    L_v = ((L_v_1 + L_v_2).sum(axis=2) * q_i).sum() / N
    i_idx = e_true[0]
    j_idx = e_true[1]
    # scatter_max with out=zeros  ==  max(segment_max, 0); empty segments -> 0
    f_centers = jnp.maximum(jax.ops.segment_max(f[i_idx], j_idx, num_segments=K), 0.0)
    b1 = 1.0 - f_centers.sum() / K
    n_bkg = n_i.sum().astype(jnp.float32)
    b2 = S_B / n_bkg * jnp.where(n_i, f, 0.0).sum()
    return b1 + b2 + L_v

if __name__ == "__main__":
    import jax
    _d = setup_inputs()
    print(jax.jit(kernel)(*tuple(_d.values())))

</pallas_src>

<mosaic_0001>
#map = affine_map<(d0, d1) -> (0)>
module attributes {stable_mosaic.version = 14 : i64} {
  func.func @_sc_probe(%arg0: i32, %arg1: i32, %arg2: memref<20480xf32, #tpu.memory_space<hbm>>, %arg3: memref<256xf32, #tpu.memory_space<hbm>>, %arg4: memref<1280xf32, #tpu.memory_space<vmem>>, %arg5: memref<1280xi32, #tpu.memory_space<vmem>>, %arg6: memref<2560xi32, #tpu.memory_space<vmem>>, %arg7: memref<2560xi32, #tpu.memory_space<vmem>>, %arg8: memref<20480xf32, #tpu.memory_space<vmem>>, %arg9: memref<4352xf32, #tpu.memory_space<vmem>>, %arg10: memref<4352xi32, #tpu.memory_space<vmem>>, %arg11: memref<272xf32, #tpu.memory_space<vmem>>, %arg12: memref<272xi32, #tpu.memory_space<vmem>>, %arg13: memref<16x272xf32, #tpu.memory_space<vmem_shared>>, %arg14: memref<16x272xi32, #tpu.memory_space<vmem_shared>>, %arg15: memref<16x16xf32, #tpu.memory_space<vmem>>, %arg16: memref<16x16xi32, #tpu.memory_space<vmem>>, %arg17: memref<16xi32, #tpu.memory_space<vmem>>, %arg18: memref<16x16xf32, #tpu.memory_space<vmem>>, %arg19: memref<16xf32, #tpu.memory_space<vmem>>, %arg20: memref<!tpu.dma_semaphore, #tpu.memory_space<semaphore_mem>>) attributes {dimension_semantics = [#tpu.dimension_semantics<core_parallel>, #tpu.dimension_semantics<subcore_parallel>], iteration_bounds = array<i64: 2, 16>, scalar_prefetch = 0 : i64, scratch_operands = 17 : i64, tpu.core_type = #tpu.core_type<sc_vector_subcore>, window_params = [{transform_indices = #map}, {transform_indices = #map}]} {
    %broadcast_in_dim3A = arith.constant 0.000000e+00 : f32
    %broadcast_in_dim3A_0 = vector.broadcast %broadcast_in_dim3A : f32 to vector<16xf32>
    %swap3A = arith.constant 0 : index
    %swap3A_1 = tpu.vector_load %arg19[%swap3A] {strides = array<i32>} : memref<16xf32, #tpu.memory_space<vmem>>, vector<16xf32>,
    tpu.vector_store %arg19[%swap3A], %broadcast_in_dim3A_0 {strides = array<i32>} : memref<16xf32, #tpu.memory_space<vmem>>, vector<16xf32>,
    %eq3A = arith.constant 0 : i32
    %eq3A_2 = arith.cmpi eq, %arg0, %eq3A : i32
    %convert_element_type3A = arith.extui %eq3A_2 : i1 to i32
    %cond3A = arith.constant 0 : i32
    %cond3A_3 = arith.cmpi ne, %convert_element_type3A, %cond3A : i32
    scf.if %cond3A_3 {
      %mul3A = arith.constant 16 : i32
      %mul3A_4 = arith.muli %arg1, %mul3A : i32
      "tpu.region"() ({
        %run_scoped3A = tpu.sem_alloc : memref<!tpu.dma_semaphore, #tpu.memory_space<semaphore_mem>>
        %dma_start3A = tpu.memref_slice %arg3[%mul3A_4] : memref<256xf32, #tpu.memory_space<hbm>> -> memref<16xf32, #tpu.memory_space<hbm>>
        %dma_start3A_5 = tpu.memref_slice %arg3[%mul3A_4] : memref<256xf32, #tpu.memory_space<hbm>> -> memref<16xf32, #tpu.memory_space<hbm>>
        tpu.enqueue_dma source(%arg19 : memref<16xf32, #tpu.memory_space<vmem>>) target(%dma_start3A_5 : memref<16xf32, #tpu.memory_space<hbm>>) target_semaphore(%run_scoped3A : memref<!tpu.dma_semaphore, #tpu.memory_space<semaphore_mem>>)
        %dma_wait3A = tpu.memref_slice %arg3[%mul3A_4] : memref<256xf32, #tpu.memory_space<hbm>> -> memref<16xf32, #tpu.memory_space<hbm>>
        %dma_wait3A_6 = tpu.memref_slice %arg3[%mul3A_4] : memref<256xf32, #tpu.memory_space<hbm>> -> memref<16xf32, #tpu.memory_space<hbm>>
        tpu.wait_dma2 semaphore(%run_scoped3A : memref<!tpu.dma_semaphore, #tpu.memory_space<semaphore_mem>>) src(%arg19 : memref<16xf32, #tpu.memory_space<vmem>>) dst(%dma_wait3A_6 : memref<16xf32, #tpu.memory_space<hbm>>)
        tpu.yield
      }) : () -> ()
    } else {
    }
    return
  }
}

module attributes {stable_mosaic.version = 14 : i64} {
  func.func @_tc_body(%arg0: i32, %arg1: memref<16x4096xf32, #tpu.memory_space<vmem>>, %arg2: memref<4096x1xi32, #tpu.memory_space<vmem>>, %arg3: memref<1x1x4096xf32, #tpu.memory_space<vmem>>, %arg4: memref<1x1x4096xi32, #tpu.memory_space<vmem>>, %arg5: memref<16x256xf32, #tpu.memory_space<vmem>>, %arg6: memref<1x256xf32, #tpu.memory_space<vmem>>, %arg7: memref<1x256xf32, #tpu.memory_space<vmem>>, %arg8: memref<1x1xf32, #tpu.memory_space<vmem>>, %arg9: memref<3xf32, #tpu.memory_space<smem>>) attributes {dimension_semantics = [#tpu.dimension_semantics<arbitrary>], iteration_bounds = array<i64: 5>, scalar_prefetch = 0 : i64, scratch_operands = 1 : i64, tpu.core_type = #tpu.core_type<tc>, window_params = [{transform_indices = @transform_0, window_bounds = array<i64: 16, 4096>}, {transform_indices = @transform_1, window_bounds = array<i64: 4096, 1>}, {transform_indices = @transform_2, window_bounds = array<i64: 1, 1, 4096>}, {transform_indices = @transform_3, window_bounds = array<i64: 1, 1, 4096>}, {pipeline_mode = #tpu.pipeline_mode<synchronous>, transform_indices = @transform_4, window_bounds = array<i64: 16, 256>}, {pipeline_mode = #tpu.pipeline_mode<synchronous>, transform_indices = @transform_5, window_bounds = array<i64: 1, 256>}, {pipeline_mode = #tpu.pipeline_mode<synchronous>, transform_indices = @transform_6, window_bounds = array<i64: 1, 256>}, {pipeline_mode = #tpu.pipeline_mode<synchronous>, transform_indices = @transform_7, window_bounds = array<i64: 1, 1>}]} {
    %eq3A = arith.constant 0 : i32
    %eq3A_0 = arith.cmpi eq, %arg0, %eq3A : i32
    %convert_element_type3A = arith.extui %eq3A_0 : i1 to i32
    %cond3A = arith.constant 0 : i32
    %cond3A_1 = arith.cmpi ne, %convert_element_type3A, %cond3A : i32
    scf.if %cond3A_1 {
      %swap3A_148 = arith.constant 0.000000e+00 : f32
      %swap3A_149 = arith.constant 0 : index
      %swap3A_150 = memref.load %arg9[%swap3A_149] : memref<3xf32, #tpu.memory_space<smem>>
      memref.store %swap3A_148, %arg9[%swap3A_149] : memref<3xf32, #tpu.memory_space<smem>>
      %swap3A_151 = arith.constant 0.000000e+00 : f32
      %swap3A_152 = arith.constant 1 : index
      %swap3A_153 = memref.load %arg9[%swap3A_152] : memref<3xf32, #tpu.memory_space<smem>>
      memref.store %swap3A_151, %arg9[%swap3A_152] : memref<3xf32, #tpu.memory_space<smem>>
      %swap3A_154 = arith.constant 0.000000e+00 : f32
      %swap3A_155 = arith.constant 2 : index
      %swap3A_156 = memref.load %arg9[%swap3A_155] : memref<3xf32, #tpu.memory_space<smem>>
      memref.store %swap3A_154, %arg9[%swap3A_155] : memref<3xf32, #tpu.memory_space<smem>>
    } else {
    }
    %get3A = arith.constant 0 : index
    %get3A_2 = arith.constant 0 : index
    %get3A_3 = vector.load %arg1[%get3A, %get3A_2] : memref<16x4096xf32, #tpu.memory_space<vmem>>, vector<16x4096xf32>
    %get3A_4 = arith.constant 0 : index
    %get3A_5 = arith.constant 0 : index
    %get3A_6 = vector.load %arg2[%get3A_4, %get3A_5] : memref<4096x1xi32, #tpu.memory_space<vmem>>, vector<4096x1xi32>
    %get3A_7 = arith.constant 0 : index
    %get3A_8 = arith.constant 0 : index
    %get3A_9 = arith.constant 0 : index
    %get3A_10 = vector.load %arg3[%get3A_7, %get3A_8, %get3A_9] : memref<1x1x4096xf32, #tpu.memory_space<vmem>>, vector<1x1x4096xf32>
    %reshape3A = vector.shape_cast %get3A_10 : vector<1x1x4096xf32> to vector<1x4096xf32>
    %get3A_11 = arith.constant 0 : index
    %get3A_12 = arith.constant 0 : index
    %get3A_13 = arith.constant 0 : index
    %get3A_14 = vector.load %arg4[%get3A_11, %get3A_12, %get3A_13] : memref<1x1x4096xi32, #tpu.memory_space<vmem>>, vector<1x1x4096xi32>
    %reshape3A_15 = vector.shape_cast %get3A_14 : vector<1x1x4096xi32> to vector<1x4096xi32>
    %get3A_16 = arith.constant 0 : index
    %get3A_17 = arith.constant 0 : index
    %get3A_18 = vector.load %arg5[%get3A_16, %get3A_17] : memref<16x256xf32, #tpu.memory_space<vmem>>, vector<16x256xf32>
    %get3A_19 = arith.constant 0 : index
    %get3A_20 = arith.constant 0 : index
    %get3A_21 = vector.load %arg6[%get3A_19, %get3A_20] : memref<1x256xf32, #tpu.memory_space<vmem>>, vector<1x256xf32>
    %jit3A = arith.constant 0.000000e+00 : f32
    %jit3A_22 = arith.constant 0.949999988 : f32
    %max3A = vector.broadcast %jit3A : f32 to vector<1x256xf32>
    %max3A_23 = arith.maximumf %max3A, %get3A_21 : vector<1x256xf32>
    %min3A = vector.broadcast %jit3A_22 : f32 to vector<1x256xf32>
    %min3A_24 = arith.minimumf %min3A, %max3A_23 : vector<1x256xf32>
    %add3A = arith.constant 1.000000e+00 : f32
    %add3A_25 = vector.broadcast %add3A : f32 to vector<1x256xf32>
    %add3A_26 = arith.addf %add3A_25, %min3A_24 : vector<1x256xf32>
    %sub3A = arith.constant 1.000000e+00 : f32
    %sub3A_27 = vector.broadcast %sub3A : f32 to vector<1x256xf32>
    %sub3A_28 = arith.subf %sub3A_27, %min3A_24 : vector<1x256xf32>
    %div3A = arith.divf %add3A_26, %sub3A_28 : vector<1x256xf32>
    %log3A = math.log %div3A : vector<1x256xf32>
    %mul3A = arith.constant 5.000000e-01 : f32
    %mul3A_29 = vector.broadcast %mul3A : f32 to vector<1x256xf32>
    %mul3A_30 = arith.mulf %mul3A_29, %log3A : vector<1x256xf32>
    %lt3A = arith.constant 0.000000e+00 : f32
    %lt3A_31 = vector.broadcast %lt3A : f32 to vector<1x256xf32>
    %lt3A_32 = arith.cmpf olt, %get3A_21, %lt3A_31 : vector<1x256xf32>
    %mul3A_33 = arith.mulf %mul3A_30, %mul3A_30 : vector<1x256xf32>
    %add3A_34 = arith.constant 5.000000e-01 : f32
    %add3A_35 = vector.broadcast %add3A_34 : f32 to vector<1x256xf32>
    %add3A_36 = arith.addf %mul3A_33, %add3A_35 : vector<1x256xf32>
    %jit3A_37 = arith.constant 0.000000e+00 : f32
    %broadcast_in_dim3A = vector.broadcast %jit3A_37 : f32 to vector<1x256xf32>
    %select_n3A = arith.select %lt3A_32, %broadcast_in_dim3A, %add3A_36 : vector<1x256xi1>, vector<1x256xf32>
    %mul3A_38 = arith.mulf %get3A_18, %get3A_18 : vector<16x256xf32>
    %reduce_sum3A = arith.constant dense<0.000000e+00> : vector<256xf32>
    %reduce_sum3A_39 = vector.multi_reduction <add>, %mul3A_38, %reduce_sum3A [0] : vector<16x256xf32> to vector<256xf32>
    %broadcast_in_dim3A_40 = vector.shape_cast %reduce_sum3A_39 : vector<256xf32> to vector<1x256xf32>
    %mul3A_41 = arith.mulf %get3A_3, %get3A_3 : vector<16x4096xf32>
    %reduce_sum3A_42 = arith.constant dense<0.000000e+00> : vector<4096xf32>
    %reduce_sum3A_43 = vector.multi_reduction <add>, %mul3A_41, %reduce_sum3A_42 [0] : vector<16x4096xf32> to vector<4096xf32>
    %broadcast_in_dim3A_44 = vector.shape_cast %reduce_sum3A_43 : vector<4096xf32> to vector<1x4096xf32>
    %broadcast_in_dim3A_45 = arith.constant 0.000000e+00 : f32
    %broadcast_in_dim3A_46 = vector.broadcast %broadcast_in_dim3A_45 : f32 to vector<1x4096xf32>
    %add3A_47 = arith.constant 1.000000e+00 : f32
    %add3A_48 = vector.broadcast %add3A_47 : f32 to vector<1x4096xf32>
    %add3A_49 = arith.addf %broadcast_in_dim3A_46, %add3A_48 : vector<1x4096xf32>
    %concatenate3A = tpu.concatenate %get3A_3, %broadcast_in_dim3A_44, %add3A_49 in 0 : vector<16x4096xf32>, vector<1x4096xf32>, vector<1x4096xf32> -> vector<18x4096xf32>
    %mul3A_50 = arith.constant -2.000000e+00 : f32
    %mul3A_51 = vector.broadcast %mul3A_50 : f32 to vector<16x256xf32>
    %mul3A_52 = arith.mulf %mul3A_51, %get3A_18 : vector<16x256xf32>
    %broadcast_in_dim3A_53 = arith.constant 0.000000e+00 : f32
    %broadcast_in_dim3A_54 = vector.broadcast %broadcast_in_dim3A_53 : f32 to vector<1x256xf32>
    %add3A_55 = arith.constant 1.000000e+00 : f32
    %add3A_56 = vector.broadcast %add3A_55 : f32 to vector<1x256xf32>
    %add3A_57 = arith.addf %broadcast_in_dim3A_54, %add3A_56 : vector<1x256xf32>
    %concatenate3A_58 = tpu.concatenate %mul3A_52, %add3A_57, %broadcast_in_dim3A_40 in 0 : vector<16x256xf32>, vector<1x256xf32>, vector<1x256xf32> -> vector<18x256xf32>
    %dot_general3A = arith.constant dense<0.000000e+00> : vector<4096x256xf32>
    %dot_general3A_59 = tpu.matmul %concatenate3A, %concatenate3A_58, %dot_general3A {dimension_numbers = #tpu.dot_dimension_numbers<[0], [0], [1], [1], [0, 1, 1, 1], [], []>, transpose_lhs_hint = false} : vector<18x4096xf32>, vector<18x256xf32>, vector<4096x256xf32> -> vector<4096x256xf32>
    %iota3A = tpu.iota {dimensions = array<i32: 1>} : vector<4096x256xi32>
    %eq3A_60 = vector.broadcast %get3A_6 : vector<4096x1xi32> to vector<4096x256xi32>
    %eq3A_61 = arith.cmpi eq, %eq3A_60, %iota3A : vector<4096x256xi32>
    %sub3A_62 = arith.constant 1.000000e+00 : f32
    %sub3A_63 = vector.broadcast %sub3A_62 : f32 to vector<4096x256xf32>
    %sub3A_64 = arith.subf %sub3A_63, %dot_general3A_59 : vector<4096x256xf32>
    %max3A_65 = arith.constant 0.000000e+00 : f32
    %max3A_66 = vector.broadcast %max3A_65 : f32 to vector<4096x256xf32>
    %max3A_67 = arith.maximumf %sub3A_64, %max3A_66 : vector<4096x256xf32>
    %select_n3A_68 = arith.select %eq3A_61, %dot_general3A_59, %max3A_67 : vector<4096x256xi1>, vector<4096x256xf32>
    %jit3A_69 = arith.constant 0.000000e+00 : f32
    %jit3A_70 = arith.constant 0.949999988 : f32
    %max3A_71 = vector.broadcast %jit3A_69 : f32 to vector<1x4096xf32>
    %max3A_72 = arith.maximumf %max3A_71, %reshape3A : vector<1x4096xf32>
    %min3A_73 = vector.broadcast %jit3A_70 : f32 to vector<1x4096xf32>
    %min3A_74 = arith.minimumf %min3A_73, %max3A_72 : vector<1x4096xf32>
    %add3A_75 = arith.constant 1.000000e+00 : f32
    %add3A_76 = vector.broadcast %add3A_75 : f32 to vector<1x4096xf32>
    %add3A_77 = arith.addf %add3A_76, %min3A_74 : vector<1x4096xf32>
    %sub3A_78 = arith.constant 1.000000e+00 : f32
    %sub3A_79 = vector.broadcast %sub3A_78 : f32 to vector<1x4096xf32>
    %sub3A_80 = arith.subf %sub3A_79, %min3A_74 : vector<1x4096xf32>
    %div3A_81 = arith.divf %add3A_77, %sub3A_80 : vector<1x4096xf32>
    %log3A_82 = math.log %div3A_81 : vector<1x4096xf32>
    %mul3A_83 = arith.constant 5.000000e-01 : f32
    %mul3A_84 = vector.broadcast %mul3A_83 : f32 to vector<1x4096xf32>
    %mul3A_85 = arith.mulf %mul3A_84, %log3A_82 : vector<1x4096xf32>
    %eq3A_86 = arith.constant -2 : i32
    %eq3A_87 = vector.broadcast %eq3A_86 : i32 to vector<1x4096xi32>
    %eq3A_88 = arith.cmpi eq, %reshape3A_15, %eq3A_87 : vector<1x4096xi32>
    %mul3A_89 = arith.mulf %mul3A_85, %mul3A_85 : vector<1x4096xf32>
    %add3A_90 = arith.constant 5.000000e-01 : f32
    %add3A_91 = vector.broadcast %add3A_90 : f32 to vector<1x4096xf32>
    %add3A_92 = arith.addf %mul3A_89, %add3A_91 : vector<1x4096xf32>
    %jit3A_93 = arith.constant 0.000000e+00 : f32
    %broadcast_in_dim3A_94 = vector.broadcast %jit3A_93 : f32 to vector<1x4096xf32>
    %select_n3A_95 = arith.select %eq3A_88, %broadcast_in_dim3A_94, %add3A_92 : vector<1x4096xi1>, vector<1x4096xf32>
    %reshape3A_96 = vector.shape_cast %select_n3A_95 : vector<1x4096xf32> to vector<4096x1xf32>
    %mul3A_97 = vector.broadcast %reshape3A_96 : vector<4096x1xf32> to vector<4096x256xf32>
    %mul3A_98 = arith.mulf %select_n3A_68, %mul3A_97 : vector<4096x256xf32>
    %reduce_sum3A_99 = arith.constant dense<0.000000e+00> : vector<256xf32>
    %reduce_sum3A_100 = vector.multi_reduction <add>, %mul3A_98, %reduce_sum3A_99 [0] : vector<4096x256xf32> to vector<256xf32>
    %broadcast_in_dim3A_101 = vector.shape_cast %reduce_sum3A_100 : vector<256xf32> to vector<1x256xf32>
    %get3A_102 = arith.constant 0 : index
    %get3A_103 = memref.load %arg9[%get3A_102] : memref<3xf32, #tpu.memory_space<smem>>
    %mul3A_104 = arith.mulf %broadcast_in_dim3A_101, %select_n3A : vector<1x256xf32>
    %reduce_sum3A_105 = vector.shape_cast %mul3A_104 : vector<1x256xf32> to vector<1x1x256xf32>
    %reduce_sum3A_106 = arith.constant dense<0.000000e+00> : vector<1xf32>
    %reduce_sum3A_107 = vector.multi_reduction <add>, %reduce_sum3A_105, %reduce_sum3A_106 [1, 2] : vector<1x1x256xf32> to vector<1xf32>
    %reduce_sum3A_108 = vector.shape_cast %reduce_sum3A_107 : vector<1xf32> to vector<1x1x1xf32>
    %reduce_sum3A_109 = vector.extract %reduce_sum3A_108[0, 0, 0] : f32 from vector<1x1x1xf32>
    %add3A_110 = arith.addf %get3A_103, %reduce_sum3A_109 : f32
    %swap3A = arith.constant 0 : index
    %swap3A_111 = memref.load %arg9[%swap3A] : memref<3xf32, #tpu.memory_space<smem>>
    memref.store %add3A_110, %arg9[%swap3A] : memref<3xf32, #tpu.memory_space<smem>>
    %get3A_112 = arith.constant 1 : index
    %get3A_113 = memref.load %arg9[%get3A_112] : memref<3xf32, #tpu.memory_space<smem>>
    %eq3A_114 = arith.constant -1 : i32
    %eq3A_115 = vector.broadcast %eq3A_114 : i32 to vector<1x4096xi32>
    %eq3A_116 = arith.cmpi eq, %reshape3A_15, %eq3A_115 : vector<1x4096xi32>
    %jit3A_117 = arith.constant 0.000000e+00 : f32
    %broadcast_in_dim3A_118 = vector.broadcast %jit3A_117 : f32 to vector<1x4096xf32>
    %select_n3A_119 = arith.select %eq3A_116, %reshape3A, %broadcast_in_dim3A_118 : vector<1x4096xi1>, vector<1x4096xf32>
    %reduce_sum3A_120 = vector.shape_cast %select_n3A_119 : vector<1x4096xf32> to vector<1x1x4096xf32>
    %reduce_sum3A_121 = arith.constant dense<0.000000e+00> : vector<1xf32>
    %reduce_sum3A_122 = vector.multi_reduction <add>, %reduce_sum3A_120, %reduce_sum3A_121 [1, 2] : vector<1x1x4096xf32> to vector<1xf32>
    %reduce_sum3A_123 = vector.shape_cast %reduce_sum3A_122 : vector<1xf32> to vector<1x1x1xf32>
    %reduce_sum3A_124 = vector.extract %reduce_sum3A_123[0, 0, 0] : f32 from vector<1x1x1xf32>
    %add3A_125 = arith.addf %get3A_113, %reduce_sum3A_124 : f32
    %swap3A_126 = arith.constant 1 : index
    %swap3A_127 = memref.load %arg9[%swap3A_126] : memref<3xf32, #tpu.memory_space<smem>>
    memref.store %add3A_125, %arg9[%swap3A_126] : memref<3xf32, #tpu.memory_space<smem>>
    %get3A_128 = arith.constant 2 : index
    %get3A_129 = memref.load %arg9[%get3A_128] : memref<3xf32, #tpu.memory_space<smem>>
    %eq3A_130 = arith.constant -1 : i32
    %eq3A_131 = vector.broadcast %eq3A_130 : i32 to vector<1x4096xi32>
    %eq3A_132 = arith.cmpi eq, %reshape3A_15, %eq3A_131 : vector<1x4096xi32>
    %convert_element_type3A_133 = arith.extui %eq3A_132 : vector<1x4096xi1> to vector<1x4096xi32>
    %convert_element_type3A_134 = arith.sitofp %convert_element_type3A_133 : vector<1x4096xi32> to vector<1x4096xf32>
    %reduce_sum3A_135 = vector.shape_cast %convert_element_type3A_134 : vector<1x4096xf32> to vector<1x1x4096xf32>
    %reduce_sum3A_136 = arith.constant dense<0.000000e+00> : vector<1xf32>
    %reduce_sum3A_137 = vector.multi_reduction <add>, %reduce_sum3A_135, %reduce_sum3A_136 [1, 2] : vector<1x1x4096xf32> to vector<1xf32>
    %reduce_sum3A_138 = vector.shape_cast %reduce_sum3A_137 : vector<1xf32> to vector<1x1x1xf32>
    %reduce_sum3A_139 = vector.extract %reduce_sum3A_138[0, 0, 0] : f32 from vector<1x1x1xf32>
    %add3A_140 = arith.addf %get3A_129, %reduce_sum3A_139 : f32
    %swap3A_141 = arith.constant 2 : index
    %swap3A_142 = memref.load %arg9[%swap3A_141] : memref<3xf32, #tpu.memory_space<smem>>
    memref.store %add3A_140, %arg9[%swap3A_141] : memref<3xf32, #tpu.memory_space<smem>>
    %eq3A_143 = arith.constant 4 : i32
    %eq3A_144 = arith.cmpi eq, %arg0, %eq3A_143 : i32
    %convert_element_type3A_145 = arith.extui %eq3A_144 : i1 to i32
    %cond3A_146 = arith.constant 0 : i32
    %cond3A_147 = arith.cmpi ne, %convert_element_type3A_145, %cond3A_146 : i32
    scf.if %cond3A_147 {
      %get3A_148 = arith.constant 0 : index
      %get3A_149 = arith.constant 0 : index
      %get3A_150 = vector.load %arg7[%get3A_148, %get3A_149] : memref<1x256xf32, #tpu.memory_space<vmem>>, vector<1x256xf32>
      %reduce_sum3A_151 = vector.shape_cast %get3A_150 : vector<1x256xf32> to vector<1x1x256xf32>
      %reduce_sum3A_152 = arith.constant dense<0.000000e+00> : vector<1xf32>
      %reduce_sum3A_153 = vector.multi_reduction <add>, %reduce_sum3A_151, %reduce_sum3A_152 [1, 2] : vector<1x1x256xf32> to vector<1xf32>
      %reduce_sum3A_154 = vector.shape_cast %reduce_sum3A_153 : vector<1xf32> to vector<1x1x1xf32>
      %reduce_sum3A_155 = vector.extract %reduce_sum3A_154[0, 0, 0] : f32 from vector<1x1x1xf32>
      %div3A_156 = arith.constant 2.560000e+02 : f32
      %div3A_157 = arith.divf %reduce_sum3A_155, %div3A_156 : f32
      %sub3A_158 = arith.constant 1.000000e+00 : f32
      %sub3A_159 = arith.subf %sub3A_158, %div3A_157 : f32
      %get3A_160 = arith.constant 1 : index
      %get3A_161 = memref.load %arg9[%get3A_160] : memref<3xf32, #tpu.memory_space<smem>>
      %mul3A_162 = arith.constant 1.000000e+00 : f32
      %mul3A_163 = arith.mulf %mul3A_162, %get3A_161 : f32
      %get3A_164 = arith.constant 2 : index
      %get3A_165 = memref.load %arg9[%get3A_164] : memref<3xf32, #tpu.memory_space<smem>>
      %div3A_166 = arith.divf %mul3A_163, %get3A_165 : f32
      %add3A_167 = arith.addf %sub3A_159, %div3A_166 : f32
      %get3A_168 = arith.constant 0 : index
      %get3A_169 = memref.load %arg9[%get3A_168] : memref<3xf32, #tpu.memory_space<smem>>
      %div3A_170 = arith.constant 2.000000e+04 : f32
      %div3A_171 = arith.divf %get3A_169, %div3A_170 : f32
      %add3A_172 = arith.addf %add3A_167, %div3A_171 : f32
      %broadcast_in_dim3A_173 = arith.constant 0.000000e+00 : f32
      %broadcast_in_dim3A_174 = vector.broadcast %broadcast_in_dim3A_173 : f32 to vector<1x1xf32>
      %add3A_175 = vector.broadcast %add3A_172 : f32 to vector<1x1xf32>
      %add3A_176 = arith.addf %broadcast_in_dim3A_174, %add3A_175 : vector<1x1xf32>
      %swap3A_177 = arith.constant 0 : index
      %swap3A_178 = arith.constant 0 : index
      %swap3A_179 = vector.load %arg8[%swap3A_177, %swap3A_178] : memref<1x1xf32, #tpu.memory_space<vmem>>, vector<1x1xf32>
      tpu.vector_store %arg8[%swap3A_177, %swap3A_178], %add3A_176 {strides = array<i32>} : memref<1x1xf32, #tpu.memory_space<vmem>>, vector<1x1xf32>,
    } else {
    }
    return
  }
  func.func @transform_0(%arg0: i32) -> (i32, i32) {
    %c0_i32 = arith.constant 0 : i32
    %c0_i32_0 = arith.constant 0 : i32
    return %c0_i32, %arg0 : i32, i32
  }
  func.func @transform_1(%arg0: i32) -> (i32, i32) {
    %c0_i32 = arith.constant 0 : i32
    %c0_i32_0 = arith.constant 0 : i32
    return %arg0, %c0_i32 : i32, i32
  }
  func.func @transform_2(%arg0: i32) -> (i32, i32, i32) {
    %c0_i32 = arith.constant 0 : i32
    %c0_i32_0 = arith.constant 0 : i32
    %c0_i32_1 = arith.constant 0 : i32
    return %arg0, %c0_i32, %c0_i32_0 : i32, i32, i32
  }
  func.func @transform_3(%arg0: i32) -> (i32, i32, i32) {
    %c0_i32 = arith.constant 0 : i32
    %c0_i32_0 = arith.constant 0 : i32
    %c0_i32_1 = arith.constant 0 : i32
    return %arg0, %c0_i32, %c0_i32_0 : i32, i32, i32
  }
  func.func @transform_4(%arg0: i32) -> (i32, i32) {
    %c0_i32 = arith.constant 0 : i32
    %c0_i32_0 = arith.constant 0 : i32
    %c0_i32_1 = arith.constant 0 : i32
    return %c0_i32, %c0_i32_0 : i32, i32
  }
  func.func @transform_5(%arg0: i32) -> (i32, i32) {
    %c0_i32 = arith.constant 0 : i32
    %c0_i32_0 = arith.constant 0 : i32
    %c0_i32_1 = arith.constant 0 : i32
    return %c0_i32, %c0_i32_0 : i32, i32
  }
  func.func @transform_6(%arg0: i32) -> (i32, i32) {
    %c0_i32 = arith.constant 0 : i32
    %c0_i32_0 = arith.constant 0 : i32
    %c0_i32_1 = arith.constant 0 : i32
    return %c0_i32, %c0_i32_0 : i32, i32
  }
  func.func @transform_7(%arg0: i32) -> (i32, i32) {
    %c0_i32 = arith.constant 0 : i32
    %c0_i32_0 = arith.constant 0 : i32
    %c0_i32_1 = arith.constant 0 : i32
    return %c0_i32, %c0_i32_0 : i32, i32
  }
}

</mosaic_0001>

<sc_bundles>
// kernel: kernel.4.cloned.1.call-start
scs
__scs_entry_jumppad:
0x0: {  	(pc) =	sbr.rel $0x88, $3  }
0x1: {  	(tag) =	ssettag $0x0;
	lr =	simm.s32 $0x1  }
0x2: {  	[smem:$0x3F9E] =	sst lr;
	_ =	strace $0xD0000000  }
0x3: {  	_ = 	snop  }
0x4: {  	_ = 	snop  }
0x5: {  	_ = 	snop  }
0x6: {  	_ = 	snop  }
0x7: {  	_ = 	snop  }
__scs_overlays_trampoline_lowered:
0x8: {  	[smem:$0x3FAD] =	sst s0  }
0x9: {  	[smem:$0x3FAE] =	sst s1  }
0xa: {  	[smem:$0x3FAF] =	sst s2  }
0xb: {  	[smem:$0x3FB0] =	sst s3  }
0xc: {  	[smem:$0x3FB1] =	sst s4  }
0xd: {  	[smem:$0x3FB2] =	sst s5  }
0xe: {  	[smem:$0x3FB3] =	sst s6  }
0xf: {  	[smem:$0x3FB4] =	sst s7  }
0x10: {  	[smem:$0x3FB5] =	sst s8  }
0x11: {  	[smem:$0x3FB6] =	sst s9;
	s0 =	simm.s32 @!p0 $0x0  }
0x12: {  	s1 =	sld [smem:$0x3F9C];
	s0 =	simm.s32 @p0 $0x1  }
0x13: {  	[smem:$0x3FB7] =	sst s0;
	s0 =	simm.s32 @!p1 $0x0  }
0x14: {  	s2 =	sld [smem:$0x3F9B];
	s0 =	simm.s32 @p1 $0x1  }
0x15: {  	[smem:$0x3FB8] =	sst s0;
	s0 =	simm.s32 @!p2 $0x0  }
0x16: {  	s3 =	sld [smem:$0x3FDB];
	s0 =	simm.s32 @p2 $0x1  }
0x17: {  	s4 =	simm.s32 $0x1BF5;
	[smem:$0x3FBA] =	sst s0  }
0x18: {  	s0 =	sld [smem:$0x3F9D];
	_ =	swait.ge [sflag:s4], $0x0  }
0x19: {  	s7 =	sld [smem:$0x3F9E]  }
0x1a: {  	s8 =	sadd.s32 $0xFFFFE003, lr  }
0x1b: {  	s9 =	sadd.s32 $0xFFFFFEF7, lr;
	s5 =	simm.s32 $0xFFFFFFFF;
	p2 =	slt.u32 s8, $0xFFFFF086  }
0x1c: {  	p1 =	slt.u32 s9, $0xF7A;
	s5 =	simm.s32 @!p2 $0x0  }
0x1d: {  	s5 =	simm.s32 @p1 $0x1;
	p0 =	seq.s32 s7, s2  }
0x1e: {  	s7 =	smul.u32 @!p0 $0xF7A, s2;
	p2 =	seq.s32 @!p0 s5, $0x0  }
0x1f: {  	s9 =	smul.u32 $0xF7A, s1;
	s8 =	simm.s32 @!p0 $0x1BF5;
	p2 =	por !p2, p0  }
0x20: {  	[sflag:s8] =	ssyncset.s32 @!p0 $0xFFFFF086;
	s6 =	sadd.s32 @!p0 s3, s7;
	s7 =	simm.s32 @!p0 $0x108  }
0x21: {  	s3 =	sadd.s32 s3, s9;
	s6 =	sadd.s32 @!p0 $0x88, s6;
	s7 =	simm.s32 @p2 $0x1082  }
0x22: {  	[simem:s7], [sflag:s8] =	dma.local @!p0 [hbm:s6], $0xF7A  }
0x23: {  	s9 =	sor.u32 $0xD0000000, s2;
	s6 =	simm.s32 $0x108;
	_ =	swait.ge @!p0 [sflag:s8], $0x0  }
0x24: {  	s3 =	sadd.s32 $0x88, s3;
	s6 =	simm.s32 @!p1 $0x1082;
	[sflag:s4] =	ssyncset.s32 $0xFFFFF086  }
0x25: {  	[simem:s6], [sflag:s4] =	dma.local [hbm:s3], $0xF7A  }
0x26: {  	[smem:$0x3F9E] =	sst s1;
	(tag) =	ssettag s2;
	_ =	strace s9  }
0x27: {  	s1 =	sld [smem:$0x3FAE]  }
0x28: {  	s2 =	sld [smem:$0x3FAF]  }
0x29: {  	s4 =	sld [smem:$0x3FB1]  }
0x2a: {  	p0 =	seq.s32 s5, $0x0;
	s5 =	sld [smem:$0x3FB2]  }
0x2b: {  	s6 =	sld [smem:$0x3FB3]  }
0x2c: {  	s7 =	sld [smem:$0x3FB4]  }
0x2d: {  	s3 =	simm.s32 $0x108;
	s8 =	sld [smem:$0x3FB5]  }
0x2e: {  	s3 =	simm.s32 @!p0 $0x1082;
	s9 =	sld [smem:$0x3FB6]  }
0x2f: {  	lr =	sadd.s32 s0, s3;
	s0 =	sld [smem:$0x3FAD]  }
0x30: {  	s3 =	sld [smem:$0x3FB0]  }
0x31: {  	[smem:$0x3FB9] =	sst s10  }
0x32: {  	s10 =	sld [smem:$0x3FB7];
	_ =	sdelay $0x3  }
0x33: {  	p0 =	seq.s32 s10, $0x1;
	s10 =	sld [smem:$0x3FB9];
	_ =	sdelay $0x3  }
0x34: {  	[smem:$0x3FB9] =	sst s10  }
0x35: {  	s10 =	sld [smem:$0x3FB8];
	_ =	sdelay $0x3  }
0x36: {  	p1 =	seq.s32 s10, $0x1;
	s10 =	sld [smem:$0x3FB9];
	_ =	sdelay $0x3  }
0x37: {  	[smem:$0x3FB9] =	sst s10  }
0x38: {  	s10 =	sld [smem:$0x3FBA]  }
0x39: {  	_ = 	snop;
	(pc) =	sbr.ind lr, $3  }
0x3a: {  	_ = 	snop  }
0x3b: {  	_ = 	snop  }
0x3c: {  	p2 =	seq.s32 s10, $0x1;
	s10 =	sld [smem:$0x3FB9]  }
0x3d: {  	_ =	shalt  }
0x3e: {  	_ =	shalt  }
0x3f: {  	_ =	shalt  }
0x40: {  	_ =	shalt  }
0x41: {  	_ =	shalt  }
0x42: {  	_ =	shalt  }
0x43: {  	_ =	shalt  }
0x44: {  	_ =	shalt  }
0x45: {  	_ =	shalt  }
0x46: {  	_ =	shalt  }
0x47: {  	_ =	shalt  }
0x48: {  	_ =	shalt  }
0x49: {  	_ =	shalt  }
0x4a: {  	_ =	shalt  }
0x4b: {  	_ =	shalt  }
0x4c: {  	_ =	shalt  }
0x4d: {  	_ =	shalt  }
0x4e: {  	_ =	shalt  }
0x4f: {  	_ =	shalt  }
0x50: {  	_ =	shalt  }
0x51: {  	_ =	shalt  }
0x52: {  	_ =	shalt  }
0x53: {  	_ =	shalt  }
0x54: {  	_ =	shalt  }
0x55: {  	_ =	shalt  }
0x56: {  	_ =	shalt  }
0x57: {  	_ =	shalt  }
0x58: {  	_ =	shalt  }
0x59: {  	_ =	shalt  }
0x5a: {  	_ =	shalt  }
0x5b: {  	_ =	shalt  }
0x5c: {  	_ =	shalt  }
0x5d: {  	_ =	shalt  }
0x5e: {  	_ =	shalt  }
0x5f: {  	_ =	shalt  }
0x60: {  	_ =	shalt  }
0x61: {  	_ =	shalt  }
0x62: {  	_ =	shalt  }
0x63: {  	_ =	shalt  }
0x64: {  	_ =	shalt  }
0x65: {  	_ =	shalt  }
0x66: {  	_ =	shalt  }
0x67: {  	_ =	shalt  }
0x68: {  	_ =	shalt  }
0x69: {  	_ =	shalt  }
0x6a: {  	_ =	shalt  }
0x6b: {  	_ =	shalt  }
0x6c: {  	_ =	shalt  }
0x6d: {  	_ =	shalt  }
0x6e: {  	_ =	shalt  }
0x6f: {  	_ =	shalt  }
0x70: {  	_ =	shalt  }
0x71: {  	_ =	shalt  }
0x72: {  	_ =	shalt  }
0x73: {  	_ =	shalt  }
0x74: {  	_ =	shalt  }
0x75: {  	_ =	shalt  }
0x76: {  	_ =	shalt  }
0x77: {  	_ =	shalt  }
0x78: {  	_ =	shalt  }
0x79: {  	_ =	shalt  }
0x7a: {  	_ =	shalt  }
0x7b: {  	_ =	shalt  }
0x7c: {  	_ =	shalt  }
0x7d: {  	_ =	shalt  }
0x7e: {  	_ =	shalt  }
0x7f: {  	_ =	shalt  }
0x80: {  	_ =	shalt  }
0x81: {  	_ =	shalt  }
0x82: {  	_ =	shalt  }
0x83: {  	_ =	shalt  }
0x84: {  	_ =	shalt  }
0x85: {  	_ =	shalt  }
0x86: {  	_ =	shalt  }
0x87: {  	_ =	shalt  }
.Lfunc_end0:
.L_simem_size_0:
called_computation_lowered:
.L_overlay_start_0:
0x88: {  	s2 =	sld [smem:$0x3FD9]  }
0x89: {  	s3 =	sld [smem:$0x3FFE];
	_ =	sdelay $0x1  }
0x8a: {  	s1 =	srdreg.scid  }
0x8b: {  	s0 =	sand.u32 $0x1, s1  }
0x8c: {  	s16 =	sshll.u32 s0, $0xA;
	s2 =	sadd.s32 s3, s2  }
0x8d: {  	s2 =	sadd.s32 s2, s16  }
0x8e: {  	[smem:$0x3FC5] =	sst s2  }
0x8f: {  	_ = 	snop  }
0x90: {  	(tm) =	ssettm $0x1  }
0x91: {  	s17 =	sld [smem:$0x3FFB];
	_ =	sdelay $0x3  }
0x92: {  	_ =	strace s17  }
0x93: {  	s2 =	sld [smem:$0x3FFC];
	_ =	sdelay $0x3  }
0x94: {  	_ =	strace s2  }
0x95: {  	s2 =	sld [smem:$0x3FFD];
	_ =	sdelay $0x3  }
0x96: {  	_ =	strace s2  }
0x97: {  	_ =	strace $0x8FFFFFFF  }
0x98: {  	s18 =	sld [smem:$0x3FDB];
	_ =	sdelay $0x1  }
0x99: {  	s19 =	simm.s32 $_scs_section_size  }
0x9a: {  	s4 =	simm.s32 $_size__tile_overlayer_lowered;
	s5 =	simm.s32 $_tile_overlayer_lowered  }
0x9b: {  	s22 =	simm.s32 $0x1BFF;
	s21 =	sshll.u32 s5, $0x1;
	s2 =	sadd.s32 s19, s18  }
0x9c: {  	s6 =	simm.s32 $0x0;
	s20 =	sshll.u32 s4, $0x1;
	s4 =	sadd.s32 s21, s2  }
0x9d: {  	[timem:s6], [sflag:s22] =	dma.local [hbm:s4], s20  }
0x9e: {  	_ =	swait.ge [sflag:s22], s20  }
0x9f: {  	s3 =	ssub.s32 $0x0, s20;
	[sflag:s22] =	ssyncset.done $0x0  }
0xa0: {  	[sflag:s22] =	ssyncadd.s32 s3;
	_ =	sdelay $0x1  }
0xa1: {  	s23 =	simm.s32 $0x1B8B  }
0xa2: {  	_ =	swait.ge [sflag:s23], $0x1  }
0xa3: {  	[sflag:s23] =	ssyncset.done $0x0  }
0xa4: {  	s25 =	simm.s32 $0x1B8E;
	s24 =	sld [smem:$0x3FFE];
	[sflag:s23] =	ssyncadd.s32 $0xFFFFFFFF  }
0xa5: {  	s26 =	simm.s32 $execute0_lowered;
	[smem:$0x3FD2] =	sst s25  }
0xa6: {  	s4 =	sshll.u32 s26, $0x1;
	_ =	strace $0x80000046;
	[dreg:$0x1] =	wrdreg $0xFFFFFFFF  }
0xa7: {  	s28 =	simm.s32 $_size_execute0_lowered;
	s2 =	sadd.s32 s2, s4;
	[dreg:$0x0] =	wrdreg $0x0  }
0xa8: {  	s4 =	sshll.u32 s28, $0x1;
	[dreg:$0x2] =	wrdreg s2  }
0xa9: {  	[dreg:$0x3] =	wrdreg s4  }
0xaa: {  	[dreg:$0x4] =	wrdreg $0xC0  }
0xab: {  	_ =	task [dreg:s6], $0x5FFFF  }
0xac: {  	[dreg:$0x1] =	wrdreg $0xFFFFFFFF  }
0xad: {  	[dreg:$0x0] =	wrdreg $0x60  }
0xae: {  	[dreg:$0x2] =	wrdreg s24  }
0xaf: {  	[dreg:$0x3] =	wrdreg $0x9  }
0xb0: {  	_ =	task.clear_ibuf [dreg:s6], $0x4FFFF;
	_ =	strace $0x90000046  }
0xb1: {  	s29 =	simm.s32 $0x9;
	_ =	strace $0x80000048  }
0xb2: {  	_ =	swait.ge [sflag:s29], $0x1  }
0xb3: {  	[sflag:s29] =	ssyncadd.s32 $0xFFFFFFFF  }
0xb4: {  	_ =	strace $0x90000048  }
0xb5: {  	_ =	sfence  }
0xb6: {  	s30 =	sld [smem:$0x0];
	_ =	sdelay $0x2  }
0xb7: {  	s31 =	sshll.u32 s1, $0xD;
	s1 =	sshrl.u32 s1, $0x2  }
0xb8: {  	s3 =	sand.u32 $0x4000, s31;
	s1 =	sadd.s32 s1, s30  }
0xb9: {  	s0 =	sor.u32 s3, s0;
	s1 =	sshll.u32 s1, $0x11  }
0xba: {  	s0 =	sor.u32 s1, s0  }
0xbb: {  	s0 =	sadd.s32 $0x8F2B, s0  }
0xbc: {  	[sflag:s0] =	ssyncadd.remote.s32 $0x1  }
0xbd: {  	_ =	sfence.sel $0xFFFF  }
0xbe: {  	[dreg:$0x0] =	wrdreg $0xFFFFFFFF;
	(pc) =	sbr.abs _section_cstart, $3  }
0xbf: {  	[dreg:$0x1] =	wrdreg $0xFFFFFFFF  }
0xc0: {  	_ =	task.clear_ibuf [dreg:s6], $0x2FFFF;
	_ =	strace $0x9FFFFFFF  }
0xc1: {  	(tm) =	ssettm $0x7FFFFFFF  }
tec
execute0_lowered:
.L_overlay_start_1:
0x0: {  	(tag) =	ssettag $0x1  }
0x1: {  	s1 =	srdreg.scid  }
0x2: {  	s3 =	sand.u32 $0x1, s1  }
0x3: {  	s5 =	ssub.s32 $0x2, s3  }
0x4: {  	s6 =	sshrl.u32 s5, $0x1  }
0x5: {  	s2 =	rddreg [dreg:$0x0];
	s4 =	simm.s32 $0x0;
	s31 =	ssub.s32 s5, s6  }
0x6: {  	[smem:$0x7FF] =	sst s4;
	s4 =	smax.u32 s31, $0x1  }
0x7: {  	s0 =	rddreg [dreg:$0x1];
	s1 =	stileid.u32;
	s4 =	sadd.s32 $0xFFFFFFFF, s4  }
0x8: {  	s30 =	sshll.u32 s1, $0x1;
	_ =	strace $0x80000047;
	p1 =	sne.s32 s4, $0x0  }
.Ltmp0:
0x9: {  	v0 =	vimm.f32 $0.0e+00;
	p0 =	sne.s32 s3, $0x0;
	s2 =	sadd.s32 s30, s2;
	(pc) =	sbr.rel @!p1 .LBB2_2-.Ltmp0, $4  }
0xa: {  	[tilespmem:$0x0] =	vst v0;
	s3 =	simm.s32 @!p0 $0x1;
	s2 =	sadd.s32 $0x1400, s2;
	s5 =	simm.s32 @!p0 $0x0  }
0xb: {  	[hbm4b:s2+s5] =	stream.linear.scatter @!p0 [tilespmem:s5], [sflag:$0x1], $0x10, $0x38;
	[tilespmem:$0x10] =	vst v63  }
0xc: {  	_ =	swait.ge @!p0 [sflag:s3], $0x10  }
0xd: {  	[sflag:s3] =	ssyncset.done @!p0 $0x0  }
.LBB2_1:
0xe: {  	s4 =	sadd.s32 $0xFFFFFFFF, s4  }
0xf: {  	[sflag:s3] =	ssyncadd.s32 @!p0 $0xFFFFFFF0;
	p1 =	sne.s32 s4, $0x0  }
.Ltmp1:
0x10: {  	(pc) =	sbr.rel @p1 .LBB2_1-.Ltmp1, $4  }
0x11: {  	[tilespmem:$0x0] =	vst v0  }
0x12: {  	[hbm4b:s2+s5] =	stream.linear.scatter @!p0 [tilespmem:s5], [sflag:$0x1], $0x10, $0x38;
	[tilespmem:$0x10] =	vst v63  }
0x13: {  	_ =	swait.ge @!p0 [sflag:s3], $0x10  }
0x14: {  	[sflag:s3] =	ssyncset.done @!p0 $0x0  }
.LBB2_2:
0x15: {  	[sflag:s3] =	ssyncadd.s32 @!p0 $0xFFFFFFF0  }
0x16: {  	_ =	sfence.sel $0x180000  }
0x17: {  	[bflag:$0x0] =	sbarrier.arrive $0xFFFF  }
0x18: {  	p0 =	sne.s32 s1, $0x0;
	_ =	strace $0x90000047  }
0x19: {  	s0 =	sadd.s32 @!p0 $0x100000, s0;
	[bflag:$0x2] =	sbarrier.arrive $0xFFFF  }
0x1a: {  	[sflag:s0] =	ssyncadd.tile.s32 @!p0 $0x1;
	_ =	shalt  }
.Lfunc_end2:
_tile_overlayer_lowered:
.L_overlay_start_2:
0x1b: {  	(tag) =	ssettag $0x2  }
0x1c: {  	s0 =	rddreg [dreg:$0x0];
	s2 =	stileid.u32  }
0x1d: {  	s1 =	rddreg [dreg:$0x1];
	p0 =	sne.s32 s2, $0x0  }
0x1e: {  	s3 =	rddreg [dreg:$0x2];
	[bflag:$0x3] =	sbarrier.arrive $0xFFFF;
	s2 =	simm.s32 @!p0 $0x1C01  }
0x1f: {  	[timem:s3], [sflag:s2] =	dma.local @!p0 [hbm:s0], s1  }
0x20: {  	s0 =	simm.s32 @!p0 $0x1  }
0x21: {  	_ =	swait.ge @!p0 [sflag:s0], s1  }
0x22: {  	s1 =	ssub.s32 @!p0 $0x0, s1;
	[sflag:s0] =	ssyncset.done @!p0 $0x0  }
0x23: {  	[sflag:s0] =	ssyncadd.s32 @!p0 s1  }
0x24: {  	[bflag:$0x3] =	sbarrier.arrive $0xFFFF  }
0x25: {  	_ =	shalt  }

</sc_bundles>
